<compile_context>
chip_gen: v7x
topology: tpu7x:2x2x1
jax: 0.10.2.dev20260603
libtpu: 0.0.44.dev20260713+nightly
codegen_flags: <defaults>
</compile_context>

<pallas_src>
import functools

import jax
import jax.numpy as jnp
from jax import lax
from jax.experimental import pallas as pl
from jax.experimental.pallas import tpu as pltpu
from jax.experimental.pallas import tpu_sc as plsc

NC = 2
NS = 16
L = 16
NW = NC * NS
SEQ_OUT = 1024
SEQ_IN = 512
H = 12
E = 64
LINES = H * E
LB = LINES // NW
IDX_CHUNKS = SEQ_IN // L

_mesh = plsc.VectorSubcoreMesh(core_axis_name="c", subcore_axis_name="s")


@functools.partial(
    pl.kernel,
    out_type=jax.ShapeDtypeStruct((LINES, SEQ_OUT), jnp.float32),
    mesh=_mesh,
    scratch_types=[
        pltpu.VMEM((SEQ_IN,), jnp.int32),
        pltpu.VMEM((LB, SEQ_IN), jnp.float32),
        pltpu.VMEM((LB, SEQ_IN), jnp.float32),
        pltpu.VMEM((LB, SEQ_OUT), jnp.float32),
        pltpu.SemaphoreType.DMA,
        pltpu.SemaphoreType.DMA,
        pltpu.SemaphoreType.DMA,
        pltpu.SemaphoreType.DMA,
    ],
    compiler_params=pltpu.CompilerParams(needs_layout_passes=False),
)
def _index_put_sc(idx_hbm, kval_hbm, cache_hbm, out_hbm,
                  idx_v, bufk, bufc, buff, sem_k, sem_c, sem_s1, sem_s2):
    wid = lax.axis_index("s") * NC + lax.axis_index("c")
    lb = pl.multiple_of(wid * LB, 8)

    ld_i = pltpu.async_copy(idx_hbm, idx_v, sem_s1)
    ld_k = pltpu.async_copy(kval_hbm.at[pl.ds(lb, LB)], bufk, sem_k)
    ld_c = pltpu.async_copy(
        cache_hbm.at[pl.ds(lb, LB), pl.ds(SEQ_IN, SEQ_IN)], bufc, sem_c)
    ld_i.wait()

    lanes = lax.iota(jnp.int32, L)
    one = jnp.ones((L,), jnp.int32)
    zero = jnp.zeros((L,), jnp.int32)

    def cbody(v, a):
        off = pl.multiple_of(v * L, 8)
        vec = idx_v[pl.ds(off, L)]
        return a + jnp.where(vec == lanes + v * L, one, zero)

    acc = lax.fori_loop(0, IDX_CHUNKS, cbody, zero)
    is_arange = jnp.sum(acc) == SEQ_IN

    @pl.when(is_arange)
    def _():
        ld_k.wait()
        st1 = pltpu.async_copy(
            bufk, out_hbm.at[pl.ds(lb, LB), pl.ds(0, SEQ_IN)], sem_s1)
        ld_c.wait()
        st2 = pltpu.async_copy(
            bufc, out_hbm.at[pl.ds(lb, LB), pl.ds(SEQ_IN, SEQ_IN)], sem_s2)
        st1.wait()
        st2.wait()

    @pl.when(jnp.logical_not(is_arange))
    def _():
        ld_k.wait()
        ld_c.wait()
        pltpu.sync_copy(cache_hbm.at[pl.ds(lb, LB)], buff)

        def body(r, carry):
            row = zero + r

            def sbody(c, cc):
                off = pl.multiple_of(c * L, 8)
                pos = idx_v[pl.ds(off, L)]
                col = lanes + c * L
                vals = plsc.load_gather(bufk, [row, col])
                plsc.store_scatter(buff, [row, pos], vals)
                return cc

            lax.fori_loop(0, IDX_CHUNKS, sbody, 0)
            return carry

        lax.fori_loop(0, LB, body, 0)
        pltpu.sync_copy(buff, out_hbm.at[pl.ds(lb, LB)])


def kernel(input_pos, k_val, k_cache):
    idx = input_pos.astype(jnp.int32)
    kv = jnp.transpose(k_val, (0, 2, 3, 1)).reshape(LINES, SEQ_IN)
    kc = jnp.transpose(k_cache, (0, 2, 3, 1)).reshape(LINES, SEQ_OUT)
    out = _index_put_sc(idx, kv, kc)
    return jnp.transpose(out.reshape(1, H, E, SEQ_OUT), (0, 3, 1, 2))

# --- scband reference (transcript-rebuilt; emitter-appended) ---
"""Pipeline reference for scband-index-put-48773648614245 (READ-ONLY COPY).

The authoritative reference and input builder live on the scoring server;
editing this copy changes nothing except your own understanding.
"""

import jax, jax.numpy as jnp
import numpy as np

CACHE_SHAPE = (1, 1024, 12, 64)
SEQ = 512

def setup_inputs(seed: int = 0) -> dict:
    key = jax.random.key(seed)
    k1, _ = jax.random.split(key)
    input_pos = jnp.arange(SEQ, dtype=jnp.int64) if jax.config.jax_enable_x64 else jnp.arange(SEQ, dtype=jnp.int32)
    k_val = jax.random.normal(k1, (1, SEQ, 12, 64), dtype=jnp.float32)
    k_cache = jnp.zeros(CACHE_SHAPE, dtype=jnp.float32)
    return {"input_pos": input_pos, "k_val": k_val, "k_cache": k_cache}

def reference(input_pos, k_val, k_cache):
    # torch.ops.aten.index_put_(k_cache, [None, input_pos], k_val)
    # indexes dim 1 of the cache with input_pos, broadcasting over dim 0.
    k_out = k_cache.at[:, input_pos].set(k_val)
    return k_out + 0

if __name__ == "__main__":
    import jax
    _d = setup_inputs()
    print(jax.jit(kernel)(*tuple(_d.values())))

</pallas_src>

<mosaic_0001>
#map = affine_map<(d0, d1) -> (0)>
#map1 = affine_map<(d0, d1) -> (0, 0)>
module attributes {stable_mosaic.version = 14 : i64} {
  func.func @_index_put_sc(%arg0: i32, %arg1: i32, %arg2: memref<512xi32, #tpu.memory_space<hbm>>, %arg3: memref<768x512xf32, #tpu.memory_space<hbm>>, %arg4: memref<768x1024xf32, #tpu.memory_space<hbm>>, %arg5: memref<768x1024xf32, #tpu.memory_space<hbm>>, %arg6: memref<512xi32, #tpu.memory_space<vmem>>, %arg7: memref<24x512xf32, #tpu.memory_space<vmem>>, %arg8: memref<24x512xf32, #tpu.memory_space<vmem>>, %arg9: memref<24x1024xf32, #tpu.memory_space<vmem>>, %arg10: memref<!tpu.dma_semaphore, #tpu.memory_space<semaphore_mem>>, %arg11: memref<!tpu.dma_semaphore, #tpu.memory_space<semaphore_mem>>, %arg12: memref<!tpu.dma_semaphore, #tpu.memory_space<semaphore_mem>>, %arg13: memref<!tpu.dma_semaphore, #tpu.memory_space<semaphore_mem>>) attributes {dimension_semantics = [#tpu.dimension_semantics<core_parallel>, #tpu.dimension_semantics<subcore_parallel>], iteration_bounds = array<i64: 2, 16>, scalar_prefetch = 0 : i64, scratch_operands = 8 : i64, tpu.core_type = #tpu.core_type<sc_vector_subcore>, window_params = [{transform_indices = #map}, {transform_indices = #map1}, {transform_indices = #map1}, {transform_indices = #map1}]} {
    %mul3A = arith.constant 2 : i32
    %mul3A_0 = arith.muli %arg1, %mul3A : i32
    %add3A = arith.addi %mul3A_0, %arg0 : i32
    %mul3A_1 = arith.constant 24 : i32
    %mul3A_2 = arith.muli %add3A, %mul3A_1 : i32
    %multiple_of3A = tpu.assume_multiple %mul3A_2, 8 : i32
    tpu.enqueue_dma source(%arg2 : memref<512xi32, #tpu.memory_space<hbm>>) target(%arg6 : memref<512xi32, #tpu.memory_space<vmem>>) target_semaphore(%arg12 : memref<!tpu.dma_semaphore, #tpu.memory_space<semaphore_mem>>)
    %dma_start3A = arith.constant 0 : i32
    %dma_start3A_3 = tpu.memref_slice %arg3[%multiple_of3A, %dma_start3A] : memref<768x512xf32, #tpu.memory_space<hbm>> -> memref<24x512xf32, #tpu.memory_space<hbm>>
    %dma_start3A_4 = arith.constant 0 : i32
    %dma_start3A_5 = tpu.memref_slice %arg3[%multiple_of3A, %dma_start3A_4] : memref<768x512xf32, #tpu.memory_space<hbm>> -> memref<24x512xf32, #tpu.memory_space<hbm>>
    tpu.enqueue_dma source(%dma_start3A_5 : memref<24x512xf32, #tpu.memory_space<hbm>>) target(%arg7 : memref<24x512xf32, #tpu.memory_space<vmem>>) target_semaphore(%arg10 : memref<!tpu.dma_semaphore, #tpu.memory_space<semaphore_mem>>)
    %dma_start3A_6 = arith.constant 512 : i32
    %dma_start3A_7 = tpu.memref_slice %arg4[%multiple_of3A, %dma_start3A_6] : memref<768x1024xf32, #tpu.memory_space<hbm>> -> memref<24x512xf32, #tpu.memory_space<hbm>>
    %dma_start3A_8 = arith.constant 512 : i32
    %dma_start3A_9 = tpu.memref_slice %arg4[%multiple_of3A, %dma_start3A_8] : memref<768x1024xf32, #tpu.memory_space<hbm>> -> memref<24x512xf32, #tpu.memory_space<hbm>>
    tpu.enqueue_dma source(%dma_start3A_9 : memref<24x512xf32, #tpu.memory_space<hbm>>) target(%arg8 : memref<24x512xf32, #tpu.memory_space<vmem>>) target_semaphore(%arg11 : memref<!tpu.dma_semaphore, #tpu.memory_space<semaphore_mem>>)
    tpu.wait_dma2 semaphore(%arg12 : memref<!tpu.dma_semaphore, #tpu.memory_space<semaphore_mem>>) src(%arg2 : memref<512xi32, #tpu.memory_space<hbm>>) dst(%arg6 : memref<512xi32, #tpu.memory_space<vmem>>)
    %iota3A = tpu.iota {dimensions = array<i32: 0>} : vector<16xi32>
    %broadcast_in_dim3A = arith.constant 1 : i32
    %broadcast_in_dim3A_10 = vector.broadcast %broadcast_in_dim3A : i32 to vector<16xi32>
    %broadcast_in_dim3A_11 = arith.constant 0 : i32
    %broadcast_in_dim3A_12 = vector.broadcast %broadcast_in_dim3A_11 : i32 to vector<16xi32>
    %scan3A = arith.constant 0 : i32
    %scan3A_13 = arith.constant 32 : i32
    %scan3A_14 = arith.addi %scan3A, %scan3A_13 : i32
    %scan3A_15 = arith.constant 1 : i32
    %scan3A_16 = scf.for %scan3A_27 = %scan3A to %scan3A_14 step %scan3A_15 iter_args(%scan3A_28 = %broadcast_in_dim3A_12) -> (vector<16xi32>)  : i32 {
      %mul3A_29 = arith.constant 16 : i32
      %mul3A_30 = arith.muli %scan3A_27, %mul3A_29 : i32
      %multiple_of3A_31 = tpu.assume_multiple %mul3A_30, 8 : i32
      %get3A = arith.index_cast %multiple_of3A_31 : i32 to index
      %get3A_32 = tpu.vector_load %arg6[%get3A] {strides = array<i32>} : memref<512xi32, #tpu.memory_space<vmem>>, vector<16xi32>,
      %mul3A_33 = arith.constant 16 : i32
      %mul3A_34 = arith.muli %scan3A_27, %mul3A_33 : i32
      %add3A_35 = vector.broadcast %mul3A_34 : i32 to vector<16xi32>
      %add3A_36 = arith.addi %iota3A, %add3A_35 : vector<16xi32>
      %eq3A_37 = arith.cmpi eq, %get3A_32, %add3A_36 : vector<16xi32>
      %select_n3A = arith.select %eq3A_37, %broadcast_in_dim3A_10, %broadcast_in_dim3A_12 : vector<16xi1>, vector<16xi32>
      %add3A_38 = arith.addi %scan3A_28, %select_n3A : vector<16xi32>
      scf.yield %add3A_38 : vector<16xi32>
    }
    %scan3A_17 = arith.constant 32 : i32
    %reduce_sum3A = arith.constant true
    %reduce_sum3A_18 = vector.broadcast %reduce_sum3A : i1 to vector<16xi1>
    %reduce_sum3A_19 = tpu.scan <sum>, %scan3A_16 masked %reduce_sum3A_18 : vector<16xi32>, vector<16xi1> -> vector<16xi32>
    %reduce_sum3A_20 = vector.extract %reduce_sum3A_19[15] : i32 from vector<16xi32>
    %eq3A = arith.constant 512 : i32
    %eq3A_21 = arith.cmpi eq, %reduce_sum3A_20, %eq3A : i32
    %convert_element_type3A = arith.extui %eq3A_21 : i1 to i32
    %cond3A = arith.constant 0 : i32
    %cond3A_22 = arith.cmpi ne, %convert_element_type3A, %cond3A : i32
    scf.if %cond3A_22 {
      %dma_wait3A = arith.constant 0 : i32
      %dma_wait3A_27 = tpu.memref_slice %arg3[%multiple_of3A, %dma_wait3A] : memref<768x512xf32, #tpu.memory_space<hbm>> -> memref<24x512xf32, #tpu.memory_space<hbm>>
      %dma_wait3A_28 = arith.constant 0 : i32
      %dma_wait3A_29 = tpu.memref_slice %arg3[%multiple_of3A, %dma_wait3A_28] : memref<768x512xf32, #tpu.memory_space<hbm>> -> memref<24x512xf32, #tpu.memory_space<hbm>>
      tpu.wait_dma2 semaphore(%arg10 : memref<!tpu.dma_semaphore, #tpu.memory_space<semaphore_mem>>) src(%dma_wait3A_29 : memref<24x512xf32, #tpu.memory_space<hbm>>) dst(%arg7 : memref<24x512xf32, #tpu.memory_space<vmem>>)
      %dma_start3A_30 = arith.constant 0 : i32
      %dma_start3A_31 = tpu.memref_slice %arg5[%multiple_of3A, %dma_start3A_30] : memref<768x1024xf32, #tpu.memory_space<hbm>> -> memref<24x512xf32, #tpu.memory_space<hbm>>
      %dma_start3A_32 = arith.constant 0 : i32
      %dma_start3A_33 = tpu.memref_slice %arg5[%multiple_of3A, %dma_start3A_32] : memref<768x1024xf32, #tpu.memory_space<hbm>> -> memref<24x512xf32, #tpu.memory_space<hbm>>
      tpu.enqueue_dma source(%arg7 : memref<24x512xf32, #tpu.memory_space<vmem>>) target(%dma_start3A_33 : memref<24x512xf32, #tpu.memory_space<hbm>>) target_semaphore(%arg12 : memref<!tpu.dma_semaphore, #tpu.memory_space<semaphore_mem>>)
      %dma_wait3A_34 = arith.constant 512 : i32
      %dma_wait3A_35 = tpu.memref_slice %arg4[%multiple_of3A, %dma_wait3A_34] : memref<768x1024xf32, #tpu.memory_space<hbm>> -> memref<24x512xf32, #tpu.memory_space<hbm>>
      %dma_wait3A_36 = arith.constant 512 : i32
      %dma_wait3A_37 = tpu.memref_slice %arg4[%multiple_of3A, %dma_wait3A_36] : memref<768x1024xf32, #tpu.memory_space<hbm>> -> memref<24x512xf32, #tpu.memory_space<hbm>>
      tpu.wait_dma2 semaphore(%arg11 : memref<!tpu.dma_semaphore, #tpu.memory_space<semaphore_mem>>) src(%dma_wait3A_37 : memref<24x512xf32, #tpu.memory_space<hbm>>) dst(%arg8 : memref<24x512xf32, #tpu.memory_space<vmem>>)
      %dma_start3A_38 = arith.constant 512 : i32
      %dma_start3A_39 = tpu.memref_slice %arg5[%multiple_of3A, %dma_start3A_38] : memref<768x1024xf32, #tpu.memory_space<hbm>> -> memref<24x512xf32, #tpu.memory_space<hbm>>
      %dma_start3A_40 = arith.constant 512 : i32
      %dma_start3A_41 = tpu.memref_slice %arg5[%multiple_of3A, %dma_start3A_40] : memref<768x1024xf32, #tpu.memory_space<hbm>> -> memref<24x512xf32, #tpu.memory_space<hbm>>
      tpu.enqueue_dma source(%arg8 : memref<24x512xf32, #tpu.memory_space<vmem>>) target(%dma_start3A_41 : memref<24x512xf32, #tpu.memory_space<hbm>>) target_semaphore(%arg13 : memref<!tpu.dma_semaphore, #tpu.memory_space<semaphore_mem>>)
      %dma_wait3A_42 = arith.constant 0 : i32
      %dma_wait3A_43 = tpu.memref_slice %arg5[%multiple_of3A, %dma_wait3A_42] : memref<768x1024xf32, #tpu.memory_space<hbm>> -> memref<24x512xf32, #tpu.memory_space<hbm>>
      %dma_wait3A_44 = arith.constant 0 : i32
      %dma_wait3A_45 = tpu.memref_slice %arg5[%multiple_of3A, %dma_wait3A_44] : memref<768x1024xf32, #tpu.memory_space<hbm>> -> memref<24x512xf32, #tpu.memory_space<hbm>>
      tpu.wait_dma2 semaphore(%arg12 : memref<!tpu.dma_semaphore, #tpu.memory_space<semaphore_mem>>) src(%arg7 : memref<24x512xf32, #tpu.memory_space<vmem>>) dst(%dma_wait3A_45 : memref<24x512xf32, #tpu.memory_space<hbm>>)
      %dma_wait3A_46 = arith.constant 512 : i32
      %dma_wait3A_47 = tpu.memref_slice %arg5[%multiple_of3A, %dma_wait3A_46] : memref<768x1024xf32, #tpu.memory_space<hbm>> -> memref<24x512xf32, #tpu.memory_space<hbm>>
      %dma_wait3A_48 = arith.constant 512 : i32
      %dma_wait3A_49 = tpu.memref_slice %arg5[%multiple_of3A, %dma_wait3A_48] : memref<768x1024xf32, #tpu.memory_space<hbm>> -> memref<24x512xf32, #tpu.memory_space<hbm>>
      tpu.wait_dma2 semaphore(%arg13 : memref<!tpu.dma_semaphore, #tpu.memory_space<semaphore_mem>>) src(%arg8 : memref<24x512xf32, #tpu.memory_space<vmem>>) dst(%dma_wait3A_49 : memref<24x512xf32, #tpu.memory_space<hbm>>)
    } else {
    }
    %not3A = arith.constant true
    %not3A_23 = arith.xori %eq3A_21, %not3A : i1
    %convert_element_type3A_24 = arith.extui %not3A_23 : i1 to i32
    %cond3A_25 = arith.constant 0 : i32
    %cond3A_26 = arith.cmpi ne, %convert_element_type3A_24, %cond3A_25 : i32
    scf.if %cond3A_26 {
      %dma_wait3A = arith.constant 0 : i32
      %dma_wait3A_27 = tpu.memref_slice %arg3[%multiple_of3A, %dma_wait3A] : memref<768x512xf32, #tpu.memory_space<hbm>> -> memref<24x512xf32, #tpu.memory_space<hbm>>
      %dma_wait3A_28 = arith.constant 0 : i32
      %dma_wait3A_29 = tpu.memref_slice %arg3[%multiple_of3A, %dma_wait3A_28] : memref<768x512xf32, #tpu.memory_space<hbm>> -> memref<24x512xf32, #tpu.memory_space<hbm>>
      tpu.wait_dma2 semaphore(%arg10 : memref<!tpu.dma_semaphore, #tpu.memory_space<semaphore_mem>>) src(%dma_wait3A_29 : memref<24x512xf32, #tpu.memory_space<hbm>>) dst(%arg7 : memref<24x512xf32, #tpu.memory_space<vmem>>)
      %dma_wait3A_30 = arith.constant 512 : i32
      %dma_wait3A_31 = tpu.memref_slice %arg4[%multiple_of3A, %dma_wait3A_30] : memref<768x1024xf32, #tpu.memory_space<hbm>> -> memref<24x512xf32, #tpu.memory_space<hbm>>
      %dma_wait3A_32 = arith.constant 512 : i32
      %dma_wait3A_33 = tpu.memref_slice %arg4[%multiple_of3A, %dma_wait3A_32] : memref<768x1024xf32, #tpu.memory_space<hbm>> -> memref<24x512xf32, #tpu.memory_space<hbm>>
      tpu.wait_dma2 semaphore(%arg11 : memref<!tpu.dma_semaphore, #tpu.memory_space<semaphore_mem>>) src(%dma_wait3A_33 : memref<24x512xf32, #tpu.memory_space<hbm>>) dst(%arg8 : memref<24x512xf32, #tpu.memory_space<vmem>>)
      "tpu.region"() ({
        %run_scoped3A = tpu.sem_alloc : memref<!tpu.dma_semaphore, #tpu.memory_space<semaphore_mem>>
        %dma_start3A_40 = arith.constant 0 : i32
        %dma_start3A_41 = tpu.memref_slice %arg4[%multiple_of3A, %dma_start3A_40] : memref<768x1024xf32, #tpu.memory_space<hbm>> -> memref<24x1024xf32, #tpu.memory_space<hbm>>
        %dma_start3A_42 = arith.constant 0 : i32
        %dma_start3A_43 = tpu.memref_slice %arg4[%multiple_of3A, %dma_start3A_42] : memref<768x1024xf32, #tpu.memory_space<hbm>> -> memref<24x1024xf32, #tpu.memory_space<hbm>>
        tpu.enqueue_dma source(%dma_start3A_43 : memref<24x1024xf32, #tpu.memory_space<hbm>>) target(%arg9 : memref<24x1024xf32, #tpu.memory_space<vmem>>) target_semaphore(%run_scoped3A : memref<!tpu.dma_semaphore, #tpu.memory_space<semaphore_mem>>)
        %dma_wait3A_44 = arith.constant 0 : i32
        %dma_wait3A_45 = tpu.memref_slice %arg4[%multiple_of3A, %dma_wait3A_44] : memref<768x1024xf32, #tpu.memory_space<hbm>> -> memref<24x1024xf32, #tpu.memory_space<hbm>>
        %dma_wait3A_46 = arith.constant 0 : i32
        %dma_wait3A_47 = tpu.memref_slice %arg4[%multiple_of3A, %dma_wait3A_46] : memref<768x1024xf32, #tpu.memory_space<hbm>> -> memref<24x1024xf32, #tpu.memory_space<hbm>>
        tpu.wait_dma2 semaphore(%run_scoped3A : memref<!tpu.dma_semaphore, #tpu.memory_space<semaphore_mem>>) src(%dma_wait3A_47 : memref<24x1024xf32, #tpu.memory_space<hbm>>) dst(%arg9 : memref<24x1024xf32, #tpu.memory_space<vmem>>)
        tpu.yield
      }) : () -> ()
      %scan3A_34 = arith.constant 0 : i32
      %scan3A_35 = arith.constant 0 : i32
      %scan3A_36 = arith.constant 24 : i32
      %scan3A_37 = arith.addi %scan3A_35, %scan3A_36 : i32
      %scan3A_38 = arith.constant 1 : i32
      scf.for %scan3A_40 = %scan3A_35 to %scan3A_37 step %scan3A_38  : i32 {
        %add3A_41 = vector.broadcast %scan3A_40 : i32 to vector<16xi32>
        %add3A_42 = arith.addi %broadcast_in_dim3A_12, %add3A_41 : vector<16xi32>
        %scan3A_43 = arith.constant 0 : i32
        %scan3A_44 = arith.constant 0 : i32
        %scan3A_45 = arith.constant 32 : i32
        %scan3A_46 = arith.addi %scan3A_44, %scan3A_45 : i32
        %scan3A_47 = arith.constant 1 : i32
        scf.for %scan3A_49 = %scan3A_44 to %scan3A_46 step %scan3A_47  : i32 {
          %mul3A_50 = arith.constant 16 : i32
          %mul3A_51 = arith.muli %scan3A_49, %mul3A_50 : i32
          %multiple_of3A_52 = tpu.assume_multiple %mul3A_51, 8 : i32
          %get3A = arith.index_cast %multiple_of3A_52 : i32 to index
          %get3A_53 = tpu.vector_load %arg6[%get3A] {strides = array<i32>} : memref<512xi32, #tpu.memory_space<vmem>>, vector<16xi32>,
          %mul3A_54 = arith.constant 16 : i32
          %mul3A_55 = arith.muli %scan3A_49, %mul3A_54 : i32
          %add3A_56 = vector.broadcast %mul3A_55 : i32 to vector<16xi32>
          %add3A_57 = arith.addi %iota3A, %add3A_56 : vector<16xi32>
          %gather3A = tpu.vector_load_idx %arg7[%add3A_42, %add3A_57] : memref<24x512xf32, #tpu.memory_space<vmem>>[vector<16xi32>, vector<16xi32>], vector<16xf32>,
          tpu.vector_store_idx %arg9[%add3A_42, %get3A_53], %gather3A : memref<24x1024xf32, #tpu.memory_space<vmem>>[vector<16xi32>, vector<16xi32>], vector<16xf32>,
        }
        %scan3A_48 = arith.constant 32 : i32
      }
      %scan3A_39 = arith.constant 24 : i32
      "tpu.region"() ({
        %run_scoped3A = tpu.sem_alloc : memref<!tpu.dma_semaphore, #tpu.memory_space<semaphore_mem>>
        %dma_start3A_40 = arith.constant 0 : i32
        %dma_start3A_41 = tpu.memref_slice %arg5[%multiple_of3A, %dma_start3A_40] : memref<768x1024xf32, #tpu.memory_space<hbm>> -> memref<24x1024xf32, #tpu.memory_space<hbm>>
        %dma_start3A_42 = arith.constant 0 : i32
        %dma_start3A_43 = tpu.memref_slice %arg5[%multiple_of3A, %dma_start3A_42] : memref<768x1024xf32, #tpu.memory_space<hbm>> -> memref<24x1024xf32, #tpu.memory_space<hbm>>
        tpu.enqueue_dma source(%arg9 : memref<24x1024xf32, #tpu.memory_space<vmem>>) target(%dma_start3A_43 : memref<24x1024xf32, #tpu.memory_space<hbm>>) target_semaphore(%run_scoped3A : memref<!tpu.dma_semaphore, #tpu.memory_space<semaphore_mem>>)
        %dma_wait3A_44 = arith.constant 0 : i32
        %dma_wait3A_45 = tpu.memref_slice %arg5[%multiple_of3A, %dma_wait3A_44] : memref<768x1024xf32, #tpu.memory_space<hbm>> -> memref<24x1024xf32, #tpu.memory_space<hbm>>
        %dma_wait3A_46 = arith.constant 0 : i32
        %dma_wait3A_47 = tpu.memref_slice %arg5[%multiple_of3A, %dma_wait3A_46] : memref<768x1024xf32, #tpu.memory_space<hbm>> -> memref<24x1024xf32, #tpu.memory_space<hbm>>
        tpu.wait_dma2 semaphore(%run_scoped3A : memref<!tpu.dma_semaphore, #tpu.memory_space<semaphore_mem>>) src(%arg9 : memref<24x1024xf32, #tpu.memory_space<vmem>>) dst(%dma_wait3A_47 : memref<24x1024xf32, #tpu.memory_space<hbm>>)
        tpu.yield
      }) : () -> ()
    } else {
    }
    return
  }
}

</mosaic_0001>

<sc_bundles>
// kernel: kernel.3.cloned.1.call-start
scs
__scs_entry_jumppad:
0x0: {  	(pc) =	sbr.rel $0x88, $3  }
0x1: {  	(tag) =	ssettag $0x0;
	lr =	simm.s32 $0x1  }
0x2: {  	[smem:$0x3F9E] =	sst lr;
	_ =	strace $0xD0000000  }
0x3: {  	_ = 	snop  }
0x4: {  	_ = 	snop  }
0x5: {  	_ = 	snop  }
0x6: {  	_ = 	snop  }
0x7: {  	_ = 	snop  }
__scs_overlays_trampoline_lowered:
0x8: {  	[smem:$0x3FAD] =	sst s0  }
0x9: {  	[smem:$0x3FAE] =	sst s1  }
0xa: {  	[smem:$0x3FAF] =	sst s2  }
0xb: {  	[smem:$0x3FB0] =	sst s3  }
0xc: {  	[smem:$0x3FB1] =	sst s4  }
0xd: {  	[smem:$0x3FB2] =	sst s5  }
0xe: {  	[smem:$0x3FB3] =	sst s6  }
0xf: {  	[smem:$0x3FB4] =	sst s7  }
0x10: {  	[smem:$0x3FB5] =	sst s8  }
0x11: {  	[smem:$0x3FB6] =	sst s9;
	s0 =	simm.s32 @!p0 $0x0  }
0x12: {  	s1 =	sld [smem:$0x3F9C];
	s0 =	simm.s32 @p0 $0x1  }
0x13: {  	[smem:$0x3FB7] =	sst s0;
	s0 =	simm.s32 @!p1 $0x0  }
0x14: {  	s2 =	sld [smem:$0x3F9B];
	s0 =	simm.s32 @p1 $0x1  }
0x15: {  	[smem:$0x3FB8] =	sst s0;
	s0 =	simm.s32 @!p2 $0x0  }
0x16: {  	s3 =	sld [smem:$0x3FDB];
	s0 =	simm.s32 @p2 $0x1  }
0x17: {  	s4 =	simm.s32 $0x1BF5;
	[smem:$0x3FBA] =	sst s0  }
0x18: {  	s0 =	sld [smem:$0x3F9D];
	_ =	swait.ge [sflag:s4], $0x0  }
0x19: {  	s7 =	sld [smem:$0x3F9E]  }
0x1a: {  	s8 =	sadd.s32 $0xFFFFE003, lr  }
0x1b: {  	s9 =	sadd.s32 $0xFFFFFEF7, lr;
	s5 =	simm.s32 $0xFFFFFFFF;
	p2 =	slt.u32 s8, $0xFFFFF086  }
0x1c: {  	p1 =	slt.u32 s9, $0xF7A;
	s5 =	simm.s32 @!p2 $0x0  }
0x1d: {  	s5 =	simm.s32 @p1 $0x1;
	p0 =	seq.s32 s7, s2  }
0x1e: {  	s7 =	smul.u32 @!p0 $0xF7A, s2;
	p2 =	seq.s32 @!p0 s5, $0x0  }
0x1f: {  	s9 =	smul.u32 $0xF7A, s1;
	s8 =	simm.s32 @!p0 $0x1BF5;
	p2 =	por !p2, p0  }
0x20: {  	[sflag:s8] =	ssyncset.s32 @!p0 $0xFFFFF086;
	s6 =	sadd.s32 @!p0 s3, s7;
	s7 =	simm.s32 @!p0 $0x108  }
0x21: {  	s3 =	sadd.s32 s3, s9;
	s6 =	sadd.s32 @!p0 $0x88, s6;
	s7 =	simm.s32 @p2 $0x1082  }
0x22: {  	[simem:s7], [sflag:s8] =	dma.local @!p0 [hbm:s6], $0xF7A  }
0x23: {  	s9 =	sor.u32 $0xD0000000, s2;
	s6 =	simm.s32 $0x108;
	_ =	swait.ge @!p0 [sflag:s8], $0x0  }
0x24: {  	s3 =	sadd.s32 $0x88, s3;
	s6 =	simm.s32 @!p1 $0x1082;
	[sflag:s4] =	ssyncset.s32 $0xFFFFF086  }
0x25: {  	[simem:s6], [sflag:s4] =	dma.local [hbm:s3], $0xF7A  }
0x26: {  	[smem:$0x3F9E] =	sst s1;
	(tag) =	ssettag s2;
	_ =	strace s9  }
0x27: {  	s1 =	sld [smem:$0x3FAE]  }
0x28: {  	s2 =	sld [smem:$0x3FAF]  }
0x29: {  	s4 =	sld [smem:$0x3FB1]  }
0x2a: {  	p0 =	seq.s32 s5, $0x0;
	s5 =	sld [smem:$0x3FB2]  }
0x2b: {  	s6 =	sld [smem:$0x3FB3]  }
0x2c: {  	s7 =	sld [smem:$0x3FB4]  }
0x2d: {  	s3 =	simm.s32 $0x108;
	s8 =	sld [smem:$0x3FB5]  }
0x2e: {  	s3 =	simm.s32 @!p0 $0x1082;
	s9 =	sld [smem:$0x3FB6]  }
0x2f: {  	lr =	sadd.s32 s0, s3;
	s0 =	sld [smem:$0x3FAD]  }
0x30: {  	s3 =	sld [smem:$0x3FB0]  }
0x31: {  	[smem:$0x3FB9] =	sst s10  }
0x32: {  	s10 =	sld [smem:$0x3FB7];
	_ =	sdelay $0x3  }
0x33: {  	p0 =	seq.s32 s10, $0x1;
	s10 =	sld [smem:$0x3FB9];
	_ =	sdelay $0x3  }
0x34: {  	[smem:$0x3FB9] =	sst s10  }
0x35: {  	s10 =	sld [smem:$0x3FB8];
	_ =	sdelay $0x3  }
0x36: {  	p1 =	seq.s32 s10, $0x1;
	s10 =	sld [smem:$0x3FB9];
	_ =	sdelay $0x3  }
0x37: {  	[smem:$0x3FB9] =	sst s10  }
0x38: {  	s10 =	sld [smem:$0x3FBA]  }
0x39: {  	_ = 	snop;
	(pc) =	sbr.ind lr, $3  }
0x3a: {  	_ = 	snop  }
0x3b: {  	_ = 	snop  }
0x3c: {  	p2 =	seq.s32 s10, $0x1;
	s10 =	sld [smem:$0x3FB9]  }
0x3d: {  	_ =	shalt  }
0x3e: {  	_ =	shalt  }
0x3f: {  	_ =	shalt  }
0x40: {  	_ =	shalt  }
0x41: {  	_ =	shalt  }
0x42: {  	_ =	shalt  }
0x43: {  	_ =	shalt  }
0x44: {  	_ =	shalt  }
0x45: {  	_ =	shalt  }
0x46: {  	_ =	shalt  }
0x47: {  	_ =	shalt  }
0x48: {  	_ =	shalt  }
0x49: {  	_ =	shalt  }
0x4a: {  	_ =	shalt  }
0x4b: {  	_ =	shalt  }
0x4c: {  	_ =	shalt  }
0x4d: {  	_ =	shalt  }
0x4e: {  	_ =	shalt  }
0x4f: {  	_ =	shalt  }
0x50: {  	_ =	shalt  }
0x51: {  	_ =	shalt  }
0x52: {  	_ =	shalt  }
0x53: {  	_ =	shalt  }
0x54: {  	_ =	shalt  }
0x55: {  	_ =	shalt  }
0x56: {  	_ =	shalt  }
0x57: {  	_ =	shalt  }
0x58: {  	_ =	shalt  }
0x59: {  	_ =	shalt  }
0x5a: {  	_ =	shalt  }
0x5b: {  	_ =	shalt  }
0x5c: {  	_ =	shalt  }
0x5d: {  	_ =	shalt  }
0x5e: {  	_ =	shalt  }
0x5f: {  	_ =	shalt  }
0x60: {  	_ =	shalt  }
0x61: {  	_ =	shalt  }
0x62: {  	_ =	shalt  }
0x63: {  	_ =	shalt  }
0x64: {  	_ =	shalt  }
0x65: {  	_ =	shalt  }
0x66: {  	_ =	shalt  }
0x67: {  	_ =	shalt  }
0x68: {  	_ =	shalt  }
0x69: {  	_ =	shalt  }
0x6a: {  	_ =	shalt  }
0x6b: {  	_ =	shalt  }
0x6c: {  	_ =	shalt  }
0x6d: {  	_ =	shalt  }
0x6e: {  	_ =	shalt  }
0x6f: {  	_ =	shalt  }
0x70: {  	_ =	shalt  }
0x71: {  	_ =	shalt  }
0x72: {  	_ =	shalt  }
0x73: {  	_ =	shalt  }
0x74: {  	_ =	shalt  }
0x75: {  	_ =	shalt  }
0x76: {  	_ =	shalt  }
0x77: {  	_ =	shalt  }
0x78: {  	_ =	shalt  }
0x79: {  	_ =	shalt  }
0x7a: {  	_ =	shalt  }
0x7b: {  	_ =	shalt  }
0x7c: {  	_ =	shalt  }
0x7d: {  	_ =	shalt  }
0x7e: {  	_ =	shalt  }
0x7f: {  	_ =	shalt  }
0x80: {  	_ =	shalt  }
0x81: {  	_ =	shalt  }
0x82: {  	_ =	shalt  }
0x83: {  	_ =	shalt  }
0x84: {  	_ =	shalt  }
0x85: {  	_ =	shalt  }
0x86: {  	_ =	shalt  }
0x87: {  	_ =	shalt  }
.Lfunc_end0:
.L_simem_size_0:
called_computation_lowered:
.L_overlay_start_0:
0x88: {  	s2 =	sld [smem:$0x3FD9]  }
0x89: {  	s3 =	sld [smem:$0x3FFE];
	_ =	sdelay $0x1  }
0x8a: {  	s1 =	srdreg.scid  }
0x8b: {  	s0 =	sand.u32 $0x1, s1  }
0x8c: {  	s18 =	sshll.u32 s0, $0xA;
	s2 =	sadd.s32 s3, s2  }
0x8d: {  	s2 =	sadd.s32 s2, s18  }
0x8e: {  	[smem:$0x3FC5] =	sst s2  }
0x8f: {  	_ = 	snop  }
0x90: {  	s2 =	sld [smem:$0x3FC9]  }
0x91: {  	s19 =	sld [smem:$0x3FC8]  }
0x92: {  	s4 =	sld [smem:$0x3FC7]  }
0x93: {  	s5 =	sld [smem:$0x3FD0];
	(tm) =	ssettm $0x1  }
0x94: {  	s6 =	sld [smem:$0x3FFB];
	_ =	sdelay $0x3  }
0x95: {  	_ =	strace s6  }
0x96: {  	s6 =	sld [smem:$0x3FFC];
	_ =	sdelay $0x3  }
0x97: {  	_ =	strace s6  }
0x98: {  	s6 =	sld [smem:$0x3FFD];
	_ =	sdelay $0x3  }
0x99: {  	_ =	strace s6  }
0x9a: {  	_ =	strace $0x8FFFFFFF  }
0x9b: {  	s20 =	sld [smem:$0x3FDB];
	_ =	sdelay $0x1  }
0x9c: {  	s7 =	simm.s32 $_scs_section_size  }
0x9d: {  	s8 =	simm.s32 $_size__tile_overlayer_lowered;
	s9 =	simm.s32 $_tile_overlayer_lowered  }
0x9e: {  	s23 =	simm.s32 $0x1BFF;
	s22 =	sshll.u32 s9, $0x1;
	s6 =	sadd.s32 s7, s20  }
0x9f: {  	s10 =	simm.s32 $0x0;
	s21 =	sshll.u32 s8, $0x1;
	s8 =	sadd.s32 s22, s6  }
0xa0: {  	[timem:s10], [sflag:s23] =	dma.local [hbm:s8], s21  }
0xa1: {  	_ =	swait.ge [sflag:s23], s21  }
0xa2: {  	s7 =	ssub.s32 $0x0, s21;
	[sflag:s23] =	ssyncset.done $0x0  }
0xa3: {  	[sflag:s23] =	ssyncadd.s32 s7;
	_ =	sdelay $0x1  }
0xa4: {  	s24 =	simm.s32 $0x1B8B  }
0xa5: {  	_ =	swait.ge [sflag:s24], $0x1  }
0xa6: {  	[sflag:s24] =	ssyncset.done $0x0  }
0xa7: {  	s25 =	simm.s32 $0x1B8E;
	[sflag:s24] =	ssyncadd.s32 $0xFFFFFFFF  }
0xa8: {  	s26 =	simm.s32 $execute0_lowered;
	[smem:$0x3FD2] =	sst s25  }
0xa9: {  	s7 =	sshll.u32 s26, $0x1;
	_ =	strace $0x80000046;
	[dreg:$0x1] =	wrdreg $0xFFFFFFFF  }
0xaa: {  	s28 =	simm.s32 $_size_execute0_lowered;
	s6 =	sadd.s32 s6, s7;
	[dreg:$0x0] =	wrdreg $0x0  }
0xab: {  	s7 =	sshll.u32 s28, $0x1;
	[dreg:$0x2] =	wrdreg s6  }
0xac: {  	[dreg:$0x3] =	wrdreg s7  }
0xad: {  	[dreg:$0x4] =	wrdreg $0xC0  }
0xae: {  	_ =	task [dreg:s10], $0x5FFFF  }
0xaf: {  	[dreg:$0x1] =	wrdreg $0xFFFFFFFF  }
0xb0: {  	[dreg:$0x0] =	wrdreg $0x60  }
0xb1: {  	[dreg:$0x2] =	wrdreg s2  }
0xb2: {  	[dreg:$0x3] =	wrdreg s19  }
0xb3: {  	[dreg:$0x4] =	wrdreg s4  }
0xb4: {  	[dreg:$0x5] =	wrdreg s5  }
0xb5: {  	[dreg:$0x6] =	wrdreg $0x9  }
0xb6: {  	_ =	task.clear_ibuf [dreg:s10], $0x7FFFF;
	_ =	strace $0x90000046  }
0xb7: {  	s29 =	simm.s32 $0x9;
	_ =	strace $0x80000048  }
0xb8: {  	_ =	swait.ge [sflag:s29], $0x1  }
0xb9: {  	[sflag:s29] =	ssyncadd.s32 $0xFFFFFFFF  }
0xba: {  	_ =	strace $0x90000048  }
0xbb: {  	_ =	sfence  }
0xbc: {  	s30 =	sld [smem:$0x0];
	_ =	sdelay $0x2  }
0xbd: {  	s31 =	sshll.u32 s1, $0xD;
	s1 =	sshrl.u32 s1, $0x2  }
0xbe: {  	s3 =	sand.u32 $0x4000, s31;
	s1 =	sadd.s32 s1, s30  }
0xbf: {  	s0 =	sor.u32 s3, s0;
	s1 =	sshll.u32 s1, $0x11  }
0xc0: {  	s0 =	sor.u32 s1, s0  }
0xc1: {  	s0 =	sadd.s32 $0x8F2B, s0  }
0xc2: {  	[sflag:s0] =	ssyncadd.remote.s32 $0x1  }
0xc3: {  	_ =	sfence.sel $0xFFFF  }
0xc4: {  	[dreg:$0x0] =	wrdreg $0xFFFFFFFF;
	(pc) =	sbr.abs _section_cstart, $3  }
0xc5: {  	[dreg:$0x1] =	wrdreg $0xFFFFFFFF  }
0xc6: {  	_ =	task.clear_ibuf [dreg:s10], $0x2FFFF;
	_ =	strace $0x9FFFFFFF  }
0xc7: {  	(tm) =	ssettm $0x7FFFFFFF  }
tec
execute0_lowered:
.L_overlay_start_1:
0x0: {  	(tag) =	ssettag $0x1  }
0x1: {  	s1 =	rddreg [dreg:$0x0]  }
0x2: {  	s4 =	rddreg [dreg:$0x1]  }
0x3: {  	s2 =	srdreg.scid;
	s6 =	rddreg [dreg:$0x2]  }
0x4: {  	s0 =	stileid.u32;
	s8 =	rddreg [dreg:$0x3];
	s3 =	simm.s32 $0x0  }
0x5: {  	s12 =	simm.s32 $0x2000;
	s13 =	simm.s32 $0x3200;
	s14 =	simm.s32 $0x3  }
0x6: {  	s15 =	simm.s32 $0x1;
	s5 =	sand.u32 $0x1, s2;
	s31 =	sshll.u32 s0, $0x1  }
0x7: {  	s16 =	simm.s32 $0x2;
	s17 =	simm.s32 $0x4;
	s7 =	sor.u32 s5, s31  }
0x8: {  	s18 =	simm.s32 $0x6200;
	s19 =	simm.s32 $0x5;
	s9 =	smul.u32 $0xC00, s7  }
0x9: {  	s20 =	simm.s32 $0x0;
	s5 =	ssub.s32 $0x2, s5;
	s7 =	smul.u32 $0x600, s7  }
.Ltmp0:
0xa: {  	[smem:$0x7FF] =	sst s3;
	s10 =	sshrl.u32 s5, $0x1;
	(pc) =	sbr.rel .LBB2_1-.Ltmp0, $4  }
0xb: {  	s2 =	rddreg [dreg:$0x4];
	_ =	strace $0x80000047;
	s10 =	ssub.s32 s5, s10  }
0xc: {  	s11 =	sor.u32 $0x200, s9;
	s4 =	sadd.s32 s4, s7;
	s7 =	sadd.s32 s8, s9  }
0xd: {  	s5 =	sadd.s32 s6, s11;
	s6 =	sadd.s32 s6, s9;
	s8 =	sadd.s32 s8, s11  }
0xe: {  	v0 =	vlaneseq.u32;
	v1 =	vimm.s32 $0x0;
	s9 =	smax.u32 s10, $0x1;
	s10 =	simm.s32 $0x200;
	s11 =	simm.s32 $0x1000  }
.LBB2_4:
0xf: {  	[hbm4b:s7+s11] =	stream.strided.scatter [tilespmem:s10], [sflag:$0x3], $0x3000, s12, s11, $0x38;
	[tilespmem:$0xC200] =	vst v63  }
0x10: {  	_ =	swait.ge [sflag:s16], $0x3000  }
0x11: {  	[sflag:s16] =	ssyncset.done $0x0  }
0x12: {  	[sflag:s16] =	ssyncadd.s32 $0xFFFFD000  }
0x13: {  	[hbm4b:s8+s11] =	stream.strided.scatter [tilespmem:s13], [sflag:$0x4], $0x3000, s12, s11, $0x38;
	[tilespmem:$0xC200] =	vst v63  }
0x14: {  	_ =	swait.ge [sflag:s14], $0x3000  }
0x15: {  	[sflag:s14] =	ssyncset.done $0x0  }
0x16: {  	[sflag:s14] =	ssyncadd.s32 $0xFFFFD000  }
0x17: {  	_ =	swait.ge [sflag:s17], $0x3000  }
0x18: {  	[sflag:s17] =	ssyncset.done $0x0  }
0x19: {  	[sflag:s17] =	ssyncadd.s32 $0xFFFFD000  }
.LBB2_10:
0x1a: {  	s20 =	sadd.s32 $0x1, s20  }
0x1b: {  	p0 =	sne.s32 s20, s9  }
.Ltmp1:
0x1c: {  	_ = 	snop;
	(pc) =	sbr.rel @!p0 .LBB2_11-.Ltmp1, $1  }
0x1d: {  	_ =	sdelay $0x3  }
.LBB2_1:
0x1e: {  	[tilespmem:s3], [sflag:$0x3] =	stream.linear.gather [hbm4b:s1+s3], $0x200, $0x38;
	[tilespmem:$0xC200] =	vst v63  }
0x1f: {  	_ = 	snop  }
0x20: {  	[tilespmem:s10], [sflag:$0x1] =	stream.linear.gather [hbm4b:s4+s3], $0x3000, $0x38;
	[tilespmem:$0xC200] =	vst v63  }
0x21: {  	_ = 	snop  }
0x22: {  	[tilespmem:s13], [sflag:$0x2] =	stream.strided.gather [hbm4b:s5+s11], $0x3000, s12, s11, $0x38;
	[tilespmem:$0xC200] =	vst v63  }
0x23: {  	_ =	swait.ge [sflag:s14], $0x200  }
0x24: {  	[sflag:s14] =	ssyncset.done $0x0  }
0x25: {  	[sflag:s14] =	ssyncadd.s32 $0xFFFFFE00  }
0x26: {  	v2 =	vld [tilespmem:s3+$0x0];
	_ =	sdelay $0x3  }
0x27: {  	v3 =	vor.u32 s3, v0  }
0x28: {  	s21 =	simm.s32 $0x10;
	s22 =	simm.s32 $0x10;
	vm0 =	veq.s32 v2, v3;
	v2 =	vimm.s32 $0x0  }
.LBB2_2:
0x29: {  	v3 =	vld [tilespmem:s22+$0x0];
	p0 =	sne.s32 s21, $0x1F0;
	v4 =	vsel vm0, $0x1, v1;
	s23 =	smov.u32 s21;
	s21 =	sadd.s32 $0x10, s21  }
.Ltmp2:
0x2a: {  	v2 =	vadd.s32 v4, v2;
	(pc) =	sbr.rel @p0 .LBB2_2-.Ltmp2, $3  }
0x2b: {  	_ =	sdelay $0x1  }
0x2c: {  	v4 =	vor.u32 s23, v0  }
0x2d: {  	s22 =	sadd.s32 $0x10, s22;
	vm0 =	veq.s32 v3, v4  }
0x2e: {  	v3 =	vsel vm0, $0x1, v1  }
0x2f: {  	v2 =	vadd.s32 v3, v2  }
0x30: {  	(xrf0) =	vadd.scan.msk.s32 $0xffff, v2;
	_ =	sdelay $0x5  }
0x31: {  	v2, _, _ =	vpop (xrf0)  }
0x32: {  	(v2sf) =	vpush v2, $0xF;
	_ =	sdelay $0xe  }
0x33: {  	s21 =	spop (v2sf)  }
0x34: {  	p0 =	sne.s32 s21, $0x200  }
.Ltmp3:
0x35: {  	_ = 	snop;
	(pc) =	sbr.rel @!p0 .LBB2_4-.Ltmp3, $4  }
0x36: {  	_ = 	snop  }
0x37: {  	_ =	swait.ge [sflag:s15], $0x3000  }
0x38: {  	[sflag:s15] =	ssyncset.done $0x0  }
0x39: {  	[sflag:s15] =	ssyncadd.s32 $0xFFFFD000  }
0x3a: {  	_ =	swait.ge [sflag:s16], $0x3000  }
0x3b: {  	[sflag:s16] =	ssyncset.done $0x0  }
0x3c: {  	s21 =	simm.s32 $0x0;
	[sflag:s16] =	ssyncadd.s32 $0xFFFFD000  }
0x3d: {  	[tilespmem:s18], [sflag:$0x5] =	stream.linear.gather [hbm4b:s6+s21], $0x6000, $0x38;
	[tilespmem:$0xC200] =	vst v63  }
0x3e: {  	_ =	swait.ge [sflag:s19], $0x6000  }
0x3f: {  	[sflag:s19] =	ssyncset.done $0x0  }
0x40: {  	s22 =	simm.s32 $0x0;
	[sflag:s19] =	ssyncadd.s32 $0xFFFFA000  }
.LBB2_6:
0x41: {  	v2 =	vmov s22;
	v3 =	vmov s21  }
0x42: {  	v6 =	vld [tilespmem:s21+$0x0];
	v4 =	vshrl.u32 v2, $0x3;
	v5 =	vshll.u32 v3, $0x3  }
0x43: {  	v7 =	vor.u32 s21, v0;
	v3 =	vshll.u32 v4, $0xC;
	v5 =	vand.u32 $0xC00, v5  }
0x44: {  	v2 =	vshll.u32 v2, $0x7;
	v7 =	vand.u32 $0x7F, v7;
	v5 =	vor.u32 v3, v5  }
0x45: {  	v2 =	vand.u32 $0x380, v2;
	v5 =	vor.u32 v7, v5  }
0x46: {  	v5 =	vor.u32 v2, v5  }
0x47: {  	v7 =	vshll.u32 v6, $0x3  }
0x48: {  	v4 =	vshll.u32 v4, $0xD;
	v7 =	vand.u32 $0xFFFFFC00, v7  }
0x49: {  	v6 =	vand.u32 $0x7F, v6;
	v7 =	vadd.s32 v4, v7  }
0x4a: {  	v6 =	vor.u32 v6, v7  }
0x4b: {  	v6 =	vor.u32 v2, v6;
	v5 =	vld.idx.msk [tilespmem:v5+s10+$0x0], $0xffff;
	_ =	sdelay $0x2  }
0x4c: {  	s23 =	simm.s32 $0x10  }
0x4d: {  	s25 =	simm.s32 $0x20;
	s24 =	simm.s32 $0x0;
	v7 =	vmov s23  }
.LBB2_7:
0x4e: {  	p0 =	sne.s32 s25, $0x1F0;
	v7 =	vshll.u32 v7, $0x3;
	[tilespmem:v6+s18+$0x0] =	vst.idx.msk $0xffff, v5;
	s24 =	sadd.s32 $0x10, s24  }
0x4f: {  	v6 =	vor.u32 s23, v0;
	s23 =	smov.u32 s25;
	v5 =	vld [tilespmem:s24+$0x0];
	v7 =	vand.u32 $0xC00, v7  }
0x50: {  	v6 =	vand.u32 $0x7F, v6;
	v7 =	vor.u32 v3, v7  }
0x51: {  	v6 =	vor.u32 v6, v7  }
0x52: {  	v6 =	vor.u32 v2, v6;
	_ =	sdelay $0x1  }
0x53: {  	v7 =	vshll.u32 v5, $0x3  }
0x54: {  	v7 =	vand.u32 $0xFFFFFC00, v7  }
0x55: {  	v8 =	vand.u32 $0x7F, v5;
	v7 =	vadd.s32 v4, v7  }
0x56: {  	v5 =	vld.idx.msk [tilespmem:v6+s10+$0x0], $0xffff;
	v6 =	vor.u32 v8, v7  }
.Ltmp4:
0x57: {  	v6 =	vor.u32 v2, v6;
	(pc) =	sbr.rel @p0 .LBB2_7-.Ltmp4, $2  }
0x58: {  	_ =	sdelay $0x2  }
0x59: {  	s25 =	sadd.s32 $0x10, s25;
	v7 =	vmov s23  }
0x5a: {  	_ =	sdelay $0x3  }
0x5b: {  	[tilespmem:v6+s18+$0x0] =	vst.idx.msk $0xffff, v5;
	s24 =	sadd.s32 $0x10, s24  }
0x5c: {  	v61 =	vshll.u32 v7, $0x3;
	v6 =	vld [tilespmem:s24+$0x0]  }
0x5d: {  	v62 =	vor.u32 s23, v0;
	v5 =	vand.u32 $0xC00, v61  }
0x5e: {  	v7 =	vand.u32 $0x7F, v62;
	v3 =	vor.u32 v3, v5  }
0x5f: {  	v3 =	vor.u32 v7, v3  }
0x60: {  	v3 =	vor.u32 v2, v3  }
0x61: {  	v63 =	vshll.u32 v6, $0x3  }
0x62: {  	v5 =	vand.u32 $0xFFFFFC00, v63  }
0x63: {  	v6 =	vand.u32 $0x7F, v6;
	v4 =	vadd.s32 v4, v5  }
0x64: {  	s22 =	sadd.s32 $0x1, s22;
	v4 =	vor.u32 v6, v4  }
0x65: {  	p0 =	sne.s32 s22, $0x18;
	v3 =	vld.idx.msk [tilespmem:v3+s10+$0x0], $0xffff;
	v2 =	vor.u32 v2, v4  }
.Ltmp5:
0x66: {  	_ = 	snop;
	(pc) =	sbr.rel @p0 .LBB2_6-.Ltmp5, $2  }
0x67: {  	_ =	sdelay $0x2  }
0x68: {  	[tilespmem:v2+s18+$0x0] =	vst.idx.msk $0xffff, v3  }
.Ltmp6:
0x69: {  	(pc) =	sbr.rel .LBB2_10-.Ltmp6, $4  }
0x6a: {  	[hbm4b:s7+s3] =	stream.linear.scatter [tilespmem:s18], [sflag:$0x5], $0x6000, $0x38;
	[tilespmem:$0xC200] =	vst v63  }
0x6b: {  	_ =	swait.ge [sflag:s19], $0x6000  }
0x6c: {  	[sflag:s19] =	ssyncset.done $0x0  }
0x6d: {  	[sflag:s19] =	ssyncadd.s32 $0xFFFFA000  }
.LBB2_11:
0x6e: {  	_ =	sfence.sel $0x180000  }
0x6f: {  	[bflag:$0x0] =	sbarrier.arrive $0xFFFF  }
0x70: {  	p0 =	sne.s32 s0, $0x0;
	_ =	strace $0x90000047  }
0x71: {  	s0 =	sadd.s32 @!p0 $0x100000, s2;
	[bflag:$0x2] =	sbarrier.arrive $0xFFFF  }
0x72: {  	[sflag:s0] =	ssyncadd.tile.s32 @!p0 $0x1;
	_ =	shalt  }
.Lfunc_end2:
_tile_overlayer_lowered:
.L_overlay_start_2:
0x73: {  	(tag) =	ssettag $0x2  }
0x74: {  	s0 =	rddreg [dreg:$0x0];
	s2 =	stileid.u32  }
0x75: {  	s1 =	rddreg [dreg:$0x1];
	p0 =	sne.s32 s2, $0x0  }
0x76: {  	s3 =	rddreg [dreg:$0x2];
	[bflag:$0x3] =	sbarrier.arrive $0xFFFF;
	s2 =	simm.s32 @!p0 $0x1C05  }
0x77: {  	[timem:s3], [sflag:s2] =	dma.local @!p0 [hbm:s0], s1  }
0x78: {  	s0 =	simm.s32 @!p0 $0x5  }
0x79: {  	_ =	swait.ge @!p0 [sflag:s0], s1  }
0x7a: {  	s1 =	ssub.s32 @!p0 $0x0, s1;
	[sflag:s0] =	ssyncset.done @!p0 $0x0  }
0x7b: {  	[sflag:s0] =	ssyncadd.s32 @!p0 s1  }
0x7c: {  	[bflag:$0x3] =	sbarrier.arrive $0xFFFF  }
0x7d: {  	_ =	shalt  }

</sc_bundles>
